<compile_context>
chip_gen: v7x
topology: tpu7x:2x2x1
jax: 0.10.2.dev20260603
libtpu: 0.0.44.dev20260713+nightly
codegen_flags: <defaults>
</compile_context>

<pallas_src>
import functools

import jax
import jax.numpy as jnp
from jax import lax
from jax.experimental import pallas as pl
from jax.experimental.pallas import tpu as pltpu
from jax.experimental.pallas import tpu_sc as plsc

BATCH = 16384
DIM = 64
ODIM = 2 * DIM

_info = plsc.get_sparse_core_info()
_NC = _info.num_cores
_NS = _info.num_subcores
_NW = _NC * _NS
_BPW = BATCH // _NW
_CH = 128
_NCHUNK = _BPW // _CH


def _build():
    mesh = plsc.VectorSubcoreMesh(core_axis_name="c", subcore_axis_name="s")

    @functools.partial(
        pl.kernel,
        mesh=mesh,
        out_type=jax.ShapeDtypeStruct((BATCH, ODIM), jnp.float32),
        scratch_types=[
            pltpu.VMEM((_NCHUNK, _CH), jnp.int32),
            pltpu.VMEM((_NCHUNK, _CH), jnp.int32),
            pltpu.VMEM((_CH, ODIM), jnp.float32),
            pltpu.VMEM((_CH, ODIM), jnp.float32),
            pltpu.VMEM((_CH, ODIM), jnp.float32),
            pltpu.VMEM((_CH, ODIM), jnp.float32),
            pltpu.SemaphoreType.DMA,
            pltpu.SemaphoreType.DMA,
            pltpu.SemaphoreType.DMA,
            pltpu.SemaphoreType.DMA,
        ],
    )
    def k(adduct_hbm, instr_hbm, apad_hbm, ipad_hbm, out_hbm,
          aidx_v, iidx_v, a0, a1, b0, b1, g0, g1, o0, o1):
        wid = lax.axis_index("s") * _NC + lax.axis_index("c")
        base = wid * _BPW
        row0 = wid * _NCHUNK
        pltpu.sync_copy(adduct_hbm.at[pl.ds(row0, _NCHUNK), :], aidx_v)
        pltpu.sync_copy(instr_hbm.at[pl.ds(row0, _NCHUNK), :], iidx_v)

        av = (a0, a1)
        bv = (b0, b1)
        gsem = (g0, g1)
        osem = (o0, o1)

        def fire(c):
            s = c % 2
            ca = pltpu.async_copy(apad_hbm.at[aidx_v.at[c]], av[s], gsem[s])
            cb = pltpu.async_copy(ipad_hbm.at[iidx_v.at[c]], bv[s], gsem[s])
            return ca, cb

        writes = [None, None]
        pend = fire(0)
        pending = [pend, None]
        for c in range(_NCHUNK):
            s = c % 2
            ns = (c + 1) % 2
            if c + 1 < _NCHUNK:
                if writes[ns] is not None:
                    writes[ns].wait()
                    writes[ns] = None
                pending[ns] = fire(c + 1)
            ca, cb = pending[s]
            ca.wait()
            cb.wait()

            def mergerow(r, _, _s=s):
                for k16 in range(DIM // 16):
                    sl = pl.ds(DIM + k16 * 16, 16)
                    av[_s][r, sl] = bv[_s][r, sl]
                return ()

            lax.fori_loop(0, _CH, mergerow, ())
            writes[s] = pltpu.async_copy(
                av[s], out_hbm.at[pl.ds(base + c * _CH, _CH), :], osem[s])
        for w in writes:
            if w is not None:
                w.wait()

    return k


_sc_kernel = _build()


def kernel(adduct, instrument_type, adduct_table, instrument_type_table):
    apad = lax.dynamic_update_slice(
        jnp.zeros((adduct_table.shape[0], ODIM), jnp.float32),
        adduct_table, (0, 0))
    ipad = lax.dynamic_update_slice(
        jnp.zeros((instrument_type_table.shape[0], ODIM), jnp.float32),
        instrument_type_table, (0, DIM))
    adduct2 = adduct.reshape(_NW * _NCHUNK, _CH)
    instr2 = instrument_type.reshape(_NW * _NCHUNK, _CH)
    return _sc_kernel(adduct2, instr2, apad, ipad)

# --- scband reference (transcript-rebuilt; emitter-appended) ---
"""Pipeline reference for scband-base-model-43344809952116 (READ-ONLY COPY).

The authoritative reference and input builder live on the scoring server;
editing this copy changes nothing except your own understanding.
"""

import jax, jax.numpy as jnp
import numpy as np

BATCH = 16384
ADDUCT_VOCAB = 100000
INSTR_VOCAB = 1000
EMBED_DIM = 64


def setup_inputs(seed: int = 0) -> dict:
    key = jax.random.key(seed)
    k1, k2, k3, k4 = jax.random.split(key, 4)
    adduct = jax.random.randint(k1, (BATCH,), 0, ADDUCT_VOCAB, dtype=jnp.int32)
    instrument_type = jax.random.randint(k2, (BATCH,), 0, INSTR_VOCAB, dtype=jnp.int32)
    # nn.Embedding tables sized (input_size + 1, insert_size) per the module's init
    adduct_table = jax.random.normal(k3, (ADDUCT_VOCAB + 1, EMBED_DIM), dtype=jnp.float32) * 0.02
    instrument_type_table = jax.random.normal(k4, (INSTR_VOCAB + 1, EMBED_DIM), dtype=jnp.float32) * 0.02
    return {
        "adduct": adduct,
        "instrument_type": instrument_type,
        "adduct_table": adduct_table,
        "instrument_type_table": instrument_type_table,
    }


def reference(adduct, instrument_type, adduct_table, instrument_type_table):
    # embed_metadata with collision_energy_insert_size == 0 (no collision-energy branch):
    # adduct_embed = adduct_embedder(adduct); instrument_type_embed = instrument_type_embedder(instrument_type)
    # return torch.cat([adduct_embed, instrument_type_embed], dim=1)
    adduct_embed = jnp.take(adduct_table, adduct, axis=0)
    instrument_type_embed = jnp.take(instrument_type_table, instrument_type, axis=0)
    metadata_embeds = jnp.concatenate([adduct_embed, instrument_type_embed], axis=1)
    return metadata_embeds

if __name__ == "__main__":
    import jax
    _d = setup_inputs()
    print(jax.jit(kernel)(*tuple(_d.values())))

</pallas_src>

<mosaic_0001>
#map = affine_map<(d0, d1) -> (0, 0)>
module attributes {stable_mosaic.version = 14 : i64} {
  func.func @k(%arg0: i32, %arg1: i32, %arg2: memref<128x128xi32, #tpu.memory_space<hbm>>, %arg3: memref<128x128xi32, #tpu.memory_space<hbm>>, %arg4: memref<100001x128xf32, #tpu.memory_space<hbm>>, %arg5: memref<1001x128xf32, #tpu.memory_space<hbm>>, %arg6: memref<16384x128xf32, #tpu.memory_space<hbm>>, %arg7: memref<4x128xi32, #tpu.memory_space<vmem>>, %arg8: memref<4x128xi32, #tpu.memory_space<vmem>>, %arg9: memref<128x128xf32, #tpu.memory_space<vmem>>, %arg10: memref<128x128xf32, #tpu.memory_space<vmem>>, %arg11: memref<128x128xf32, #tpu.memory_space<vmem>>, %arg12: memref<128x128xf32, #tpu.memory_space<vmem>>, %arg13: memref<!tpu.dma_semaphore, #tpu.memory_space<semaphore_mem>>, %arg14: memref<!tpu.dma_semaphore, #tpu.memory_space<semaphore_mem>>, %arg15: memref<!tpu.dma_semaphore, #tpu.memory_space<semaphore_mem>>, %arg16: memref<!tpu.dma_semaphore, #tpu.memory_space<semaphore_mem>>) attributes {dimension_semantics = [#tpu.dimension_semantics<core_parallel>, #tpu.dimension_semantics<subcore_parallel>], iteration_bounds = array<i64: 2, 16>, scalar_prefetch = 0 : i64, scratch_operands = 10 : i64, tpu.core_type = #tpu.core_type<sc_vector_subcore>, window_params = [{transform_indices = #map}, {transform_indices = #map}, {transform_indices = #map}, {transform_indices = #map}, {transform_indices = #map}]} {
    %mul3A = arith.constant 2 : i32
    %mul3A_0 = arith.muli %arg1, %mul3A : i32
    %add3A = arith.addi %mul3A_0, %arg0 : i32
    %mul3A_1 = arith.constant 512 : i32
    %mul3A_2 = arith.muli %add3A, %mul3A_1 : i32
    %mul3A_3 = arith.constant 4 : i32
    %mul3A_4 = arith.muli %add3A, %mul3A_3 : i32
    "tpu.region"() ({
      %run_scoped3A = tpu.sem_alloc : memref<!tpu.dma_semaphore, #tpu.memory_space<semaphore_mem>>
      %dma_start3A_174 = arith.constant 0 : i32
      %dma_start3A_175 = tpu.memref_slice %arg2[%mul3A_4, %dma_start3A_174] : memref<128x128xi32, #tpu.memory_space<hbm>> -> memref<4x128xi32, #tpu.memory_space<hbm>>
      %dma_start3A_176 = arith.constant 0 : i32
      %dma_start3A_177 = tpu.memref_slice %arg2[%mul3A_4, %dma_start3A_176] : memref<128x128xi32, #tpu.memory_space<hbm>> -> memref<4x128xi32, #tpu.memory_space<hbm>>
      tpu.enqueue_dma source(%dma_start3A_177 : memref<4x128xi32, #tpu.memory_space<hbm>>) target(%arg7 : memref<4x128xi32, #tpu.memory_space<vmem>>) target_semaphore(%run_scoped3A : memref<!tpu.dma_semaphore, #tpu.memory_space<semaphore_mem>>)
      %dma_wait3A_178 = arith.constant 0 : i32
      %dma_wait3A_179 = tpu.memref_slice %arg2[%mul3A_4, %dma_wait3A_178] : memref<128x128xi32, #tpu.memory_space<hbm>> -> memref<4x128xi32, #tpu.memory_space<hbm>>
      %dma_wait3A_180 = arith.constant 0 : i32
      %dma_wait3A_181 = tpu.memref_slice %arg2[%mul3A_4, %dma_wait3A_180] : memref<128x128xi32, #tpu.memory_space<hbm>> -> memref<4x128xi32, #tpu.memory_space<hbm>>
      tpu.wait_dma2 semaphore(%run_scoped3A : memref<!tpu.dma_semaphore, #tpu.memory_space<semaphore_mem>>) src(%dma_wait3A_181 : memref<4x128xi32, #tpu.memory_space<hbm>>) dst(%arg7 : memref<4x128xi32, #tpu.memory_space<vmem>>)
      tpu.yield
    }) : () -> ()
    "tpu.region"() ({
      %run_scoped3A = tpu.sem_alloc : memref<!tpu.dma_semaphore, #tpu.memory_space<semaphore_mem>>
      %dma_start3A_174 = arith.constant 0 : i32
      %dma_start3A_175 = tpu.memref_slice %arg3[%mul3A_4, %dma_start3A_174] : memref<128x128xi32, #tpu.memory_space<hbm>> -> memref<4x128xi32, #tpu.memory_space<hbm>>
      %dma_start3A_176 = arith.constant 0 : i32
      %dma_start3A_177 = tpu.memref_slice %arg3[%mul3A_4, %dma_start3A_176] : memref<128x128xi32, #tpu.memory_space<hbm>> -> memref<4x128xi32, #tpu.memory_space<hbm>>
      tpu.enqueue_dma source(%dma_start3A_177 : memref<4x128xi32, #tpu.memory_space<hbm>>) target(%arg8 : memref<4x128xi32, #tpu.memory_space<vmem>>) target_semaphore(%run_scoped3A : memref<!tpu.dma_semaphore, #tpu.memory_space<semaphore_mem>>)
      %dma_wait3A_178 = arith.constant 0 : i32
      %dma_wait3A_179 = tpu.memref_slice %arg3[%mul3A_4, %dma_wait3A_178] : memref<128x128xi32, #tpu.memory_space<hbm>> -> memref<4x128xi32, #tpu.memory_space<hbm>>
      %dma_wait3A_180 = arith.constant 0 : i32
      %dma_wait3A_181 = tpu.memref_slice %arg3[%mul3A_4, %dma_wait3A_180] : memref<128x128xi32, #tpu.memory_space<hbm>> -> memref<4x128xi32, #tpu.memory_space<hbm>>
      tpu.wait_dma2 semaphore(%run_scoped3A : memref<!tpu.dma_semaphore, #tpu.memory_space<semaphore_mem>>) src(%dma_wait3A_181 : memref<4x128xi32, #tpu.memory_space<hbm>>) dst(%arg8 : memref<4x128xi32, #tpu.memory_space<vmem>>)
      tpu.yield
    }) : () -> ()
    %dma_start3A = arith.constant 0 : i32
    %dma_start3A_5 = arith.constant 0 : i32
    %dma_start3A_6 = tpu.memref_slice %arg7[%dma_start3A, %dma_start3A_5] : memref<4x128xi32, #tpu.memory_space<vmem>> -> memref<1x128xi32, #tpu.memory_space<vmem>>
    %dma_start3A_7 = tpu.memref_squeeze %dma_start3A_6 : memref<1x128xi32, #tpu.memory_space<vmem>> -> memref<128xi32, #tpu.memory_space<vmem>>
    %dma_start3A_8 = arith.constant 0 : i32
    %dma_start3A_9 = arith.constant 0 : i32
    %dma_start3A_10 = tpu.memref_slice %arg4[%dma_start3A_8, %dma_start3A_9] : memref<100001x128xf32, #tpu.memory_space<hbm>> -> memref<100001x128xf32, #tpu.memory_space<hbm>>
    tpu.enqueue_indirect_dma source(%dma_start3A_10 : memref<100001x128xf32, #tpu.memory_space<hbm>>) target(%arg9 : memref<128x128xf32, #tpu.memory_space<vmem>>) offsets(%dma_start3A_7 : memref<128xi32, #tpu.memory_space<vmem>>) semaphore(%arg13 : memref<!tpu.dma_semaphore, #tpu.memory_space<semaphore_mem>>)
    %dma_start3A_11 = arith.constant 0 : i32
    %dma_start3A_12 = arith.constant 0 : i32
    %dma_start3A_13 = tpu.memref_slice %arg8[%dma_start3A_11, %dma_start3A_12] : memref<4x128xi32, #tpu.memory_space<vmem>> -> memref<1x128xi32, #tpu.memory_space<vmem>>
    %dma_start3A_14 = tpu.memref_squeeze %dma_start3A_13 : memref<1x128xi32, #tpu.memory_space<vmem>> -> memref<128xi32, #tpu.memory_space<vmem>>
    %dma_start3A_15 = arith.constant 0 : i32
    %dma_start3A_16 = arith.constant 0 : i32
    %dma_start3A_17 = tpu.memref_slice %arg5[%dma_start3A_15, %dma_start3A_16] : memref<1001x128xf32, #tpu.memory_space<hbm>> -> memref<1001x128xf32, #tpu.memory_space<hbm>>
    tpu.enqueue_indirect_dma source(%dma_start3A_17 : memref<1001x128xf32, #tpu.memory_space<hbm>>) target(%arg11 : memref<128x128xf32, #tpu.memory_space<vmem>>) offsets(%dma_start3A_14 : memref<128xi32, #tpu.memory_space<vmem>>) semaphore(%arg13 : memref<!tpu.dma_semaphore, #tpu.memory_space<semaphore_mem>>)
    %dma_start3A_18 = arith.constant 1 : i32
    %dma_start3A_19 = arith.constant 0 : i32
    %dma_start3A_20 = tpu.memref_slice %arg7[%dma_start3A_18, %dma_start3A_19] : memref<4x128xi32, #tpu.memory_space<vmem>> -> memref<1x128xi32, #tpu.memory_space<vmem>>
    %dma_start3A_21 = tpu.memref_squeeze %dma_start3A_20 : memref<1x128xi32, #tpu.memory_space<vmem>> -> memref<128xi32, #tpu.memory_space<vmem>>
    %dma_start3A_22 = arith.constant 0 : i32
    %dma_start3A_23 = arith.constant 0 : i32
    %dma_start3A_24 = tpu.memref_slice %arg4[%dma_start3A_22, %dma_start3A_23] : memref<100001x128xf32, #tpu.memory_space<hbm>> -> memref<100001x128xf32, #tpu.memory_space<hbm>>
    tpu.enqueue_indirect_dma source(%dma_start3A_24 : memref<100001x128xf32, #tpu.memory_space<hbm>>) target(%arg10 : memref<128x128xf32, #tpu.memory_space<vmem>>) offsets(%dma_start3A_21 : memref<128xi32, #tpu.memory_space<vmem>>) semaphore(%arg14 : memref<!tpu.dma_semaphore, #tpu.memory_space<semaphore_mem>>)
    %dma_start3A_25 = arith.constant 1 : i32
    %dma_start3A_26 = arith.constant 0 : i32
    %dma_start3A_27 = tpu.memref_slice %arg8[%dma_start3A_25, %dma_start3A_26] : memref<4x128xi32, #tpu.memory_space<vmem>> -> memref<1x128xi32, #tpu.memory_space<vmem>>
    %dma_start3A_28 = tpu.memref_squeeze %dma_start3A_27 : memref<1x128xi32, #tpu.memory_space<vmem>> -> memref<128xi32, #tpu.memory_space<vmem>>
    %dma_start3A_29 = arith.constant 0 : i32
    %dma_start3A_30 = arith.constant 0 : i32
    %dma_start3A_31 = tpu.memref_slice %arg5[%dma_start3A_29, %dma_start3A_30] : memref<1001x128xf32, #tpu.memory_space<hbm>> -> memref<1001x128xf32, #tpu.memory_space<hbm>>
    tpu.enqueue_indirect_dma source(%dma_start3A_31 : memref<1001x128xf32, #tpu.memory_space<hbm>>) target(%arg12 : memref<128x128xf32, #tpu.memory_space<vmem>>) offsets(%dma_start3A_28 : memref<128xi32, #tpu.memory_space<vmem>>) semaphore(%arg14 : memref<!tpu.dma_semaphore, #tpu.memory_space<semaphore_mem>>)
    %dma_wait3A = arith.constant 0 : i32
    %dma_wait3A_32 = arith.constant 0 : i32
    %dma_wait3A_33 = tpu.memref_slice %arg7[%dma_wait3A, %dma_wait3A_32] : memref<4x128xi32, #tpu.memory_space<vmem>> -> memref<1x128xi32, #tpu.memory_space<vmem>>
    %dma_wait3A_34 = tpu.memref_squeeze %dma_wait3A_33 : memref<1x128xi32, #tpu.memory_space<vmem>> -> memref<128xi32, #tpu.memory_space<vmem>>
    %dma_wait3A_35 = arith.constant 0 : i32
    %dma_wait3A_36 = arith.constant 0 : i32
    %dma_wait3A_37 = tpu.memref_slice %arg4[%dma_wait3A_35, %dma_wait3A_36] : memref<100001x128xf32, #tpu.memory_space<hbm>> -> memref<100001x128xf32, #tpu.memory_space<hbm>>
    tpu.wait_indirect_dma semaphore(%arg13 : memref<!tpu.dma_semaphore, #tpu.memory_space<semaphore_mem>>) src(%dma_wait3A_37 : memref<100001x128xf32, #tpu.memory_space<hbm>>) dst(%arg9 : memref<128x128xf32, #tpu.memory_space<vmem>>)
    %dma_wait3A_38 = arith.constant 0 : i32
    %dma_wait3A_39 = arith.constant 0 : i32
    %dma_wait3A_40 = tpu.memref_slice %arg8[%dma_wait3A_38, %dma_wait3A_39] : memref<4x128xi32, #tpu.memory_space<vmem>> -> memref<1x128xi32, #tpu.memory_space<vmem>>
    %dma_wait3A_41 = tpu.memref_squeeze %dma_wait3A_40 : memref<1x128xi32, #tpu.memory_space<vmem>> -> memref<128xi32, #tpu.memory_space<vmem>>
    %dma_wait3A_42 = arith.constant 0 : i32
    %dma_wait3A_43 = arith.constant 0 : i32
    %dma_wait3A_44 = tpu.memref_slice %arg5[%dma_wait3A_42, %dma_wait3A_43] : memref<1001x128xf32, #tpu.memory_space<hbm>> -> memref<1001x128xf32, #tpu.memory_space<hbm>>
    tpu.wait_indirect_dma semaphore(%arg13 : memref<!tpu.dma_semaphore, #tpu.memory_space<semaphore_mem>>) src(%dma_wait3A_44 : memref<1001x128xf32, #tpu.memory_space<hbm>>) dst(%arg11 : memref<128x128xf32, #tpu.memory_space<vmem>>)
    %scan3A = arith.constant 0 : i32
    %scan3A_45 = arith.constant 128 : i32
    %scan3A_46 = arith.addi %scan3A, %scan3A_45 : i32
    %scan3A_47 = arith.constant 1 : i32
    scf.for %scan3A_174 = %scan3A to %scan3A_46 step %scan3A_47  : i32 {
      %get3A = arith.index_cast %scan3A_174 : i32 to index
      %get3A_175 = arith.constant 64 : index
      %get3A_176 = tpu.vector_load %arg11[%get3A, %get3A_175] {strides = array<i32>} : memref<128x128xf32, #tpu.memory_space<vmem>>, vector<1x16xf32>,
      %get3A_177 = vector.shape_cast %get3A_176 : vector<1x16xf32> to vector<16xf32>
      %swap3A = arith.index_cast %scan3A_174 : i32 to index
      %swap3A_178 = arith.constant 64 : index
      %swap3A_179 = tpu.vector_load %arg9[%swap3A, %swap3A_178] {strides = array<i32>} : memref<128x128xf32, #tpu.memory_space<vmem>>, vector<1x16xf32>,
      %swap3A_180 = vector.shape_cast %swap3A_179 : vector<1x16xf32> to vector<16xf32>
      %swap3A_181 = vector.shape_cast %get3A_177 : vector<16xf32> to vector<1x16xf32>
      tpu.vector_store %arg9[%swap3A, %swap3A_178], %swap3A_181 {strides = array<i32>} : memref<128x128xf32, #tpu.memory_space<vmem>>, vector<1x16xf32>,
      %get3A_182 = arith.index_cast %scan3A_174 : i32 to index
      %get3A_183 = arith.constant 80 : index
      %get3A_184 = tpu.vector_load %arg11[%get3A_182, %get3A_183] {strides = array<i32>} : memref<128x128xf32, #tpu.memory_space<vmem>>, vector<1x16xf32>,
      %get3A_185 = vector.shape_cast %get3A_184 : vector<1x16xf32> to vector<16xf32>
      %swap3A_186 = arith.index_cast %scan3A_174 : i32 to index
      %swap3A_187 = arith.constant 80 : index
      %swap3A_188 = tpu.vector_load %arg9[%swap3A_186, %swap3A_187] {strides = array<i32>} : memref<128x128xf32, #tpu.memory_space<vmem>>, vector<1x16xf32>,
      %swap3A_189 = vector.shape_cast %swap3A_188 : vector<1x16xf32> to vector<16xf32>
      %swap3A_190 = vector.shape_cast %get3A_185 : vector<16xf32> to vector<1x16xf32>
      tpu.vector_store %arg9[%swap3A_186, %swap3A_187], %swap3A_190 {strides = array<i32>} : memref<128x128xf32, #tpu.memory_space<vmem>>, vector<1x16xf32>,
      %get3A_191 = arith.index_cast %scan3A_174 : i32 to index
      %get3A_192 = arith.constant 96 : index
      %get3A_193 = tpu.vector_load %arg11[%get3A_191, %get3A_192] {strides = array<i32>} : memref<128x128xf32, #tpu.memory_space<vmem>>, vector<1x16xf32>,
      %get3A_194 = vector.shape_cast %get3A_193 : vector<1x16xf32> to vector<16xf32>
      %swap3A_195 = arith.index_cast %scan3A_174 : i32 to index
      %swap3A_196 = arith.constant 96 : index
      %swap3A_197 = tpu.vector_load %arg9[%swap3A_195, %swap3A_196] {strides = array<i32>} : memref<128x128xf32, #tpu.memory_space<vmem>>, vector<1x16xf32>,
      %swap3A_198 = vector.shape_cast %swap3A_197 : vector<1x16xf32> to vector<16xf32>
      %swap3A_199 = vector.shape_cast %get3A_194 : vector<16xf32> to vector<1x16xf32>
      tpu.vector_store %arg9[%swap3A_195, %swap3A_196], %swap3A_199 {strides = array<i32>} : memref<128x128xf32, #tpu.memory_space<vmem>>, vector<1x16xf32>,
      %get3A_200 = arith.index_cast %scan3A_174 : i32 to index
      %get3A_201 = arith.constant 112 : index
      %get3A_202 = tpu.vector_load %arg11[%get3A_200, %get3A_201] {strides = array<i32>} : memref<128x128xf32, #tpu.memory_space<vmem>>, vector<1x16xf32>,
      %get3A_203 = vector.shape_cast %get3A_202 : vector<1x16xf32> to vector<16xf32>
      %swap3A_204 = arith.index_cast %scan3A_174 : i32 to index
      %swap3A_205 = arith.constant 112 : index
      %swap3A_206 = tpu.vector_load %arg9[%swap3A_204, %swap3A_205] {strides = array<i32>} : memref<128x128xf32, #tpu.memory_space<vmem>>, vector<1x16xf32>,
      %swap3A_207 = vector.shape_cast %swap3A_206 : vector<1x16xf32> to vector<16xf32>
      %swap3A_208 = vector.shape_cast %get3A_203 : vector<16xf32> to vector<1x16xf32>
      tpu.vector_store %arg9[%swap3A_204, %swap3A_205], %swap3A_208 {strides = array<i32>} : memref<128x128xf32, #tpu.memory_space<vmem>>, vector<1x16xf32>,
    }
    %scan3A_48 = arith.constant 128 : i32
    %add3A_49 = arith.constant 0 : i32
    %add3A_50 = arith.addi %mul3A_2, %add3A_49 : i32
    %dma_start3A_51 = arith.constant 0 : i32
    %dma_start3A_52 = tpu.memref_slice %arg6[%add3A_50, %dma_start3A_51] : memref<16384x128xf32, #tpu.memory_space<hbm>> -> memref<128x128xf32, #tpu.memory_space<hbm>>
    %dma_start3A_53 = arith.constant 0 : i32
    %dma_start3A_54 = tpu.memref_slice %arg6[%add3A_50, %dma_start3A_53] : memref<16384x128xf32, #tpu.memory_space<hbm>> -> memref<128x128xf32, #tpu.memory_space<hbm>>
    tpu.enqueue_dma source(%arg9 : memref<128x128xf32, #tpu.memory_space<vmem>>) target(%dma_start3A_54 : memref<128x128xf32, #tpu.memory_space<hbm>>) target_semaphore(%arg15 : memref<!tpu.dma_semaphore, #tpu.memory_space<semaphore_mem>>)
    %dma_wait3A_55 = arith.constant 0 : i32
    %dma_wait3A_56 = tpu.memref_slice %arg6[%add3A_50, %dma_wait3A_55] : memref<16384x128xf32, #tpu.memory_space<hbm>> -> memref<128x128xf32, #tpu.memory_space<hbm>>
    %dma_wait3A_57 = arith.constant 0 : i32
    %dma_wait3A_58 = tpu.memref_slice %arg6[%add3A_50, %dma_wait3A_57] : memref<16384x128xf32, #tpu.memory_space<hbm>> -> memref<128x128xf32, #tpu.memory_space<hbm>>
    tpu.wait_dma2 semaphore(%arg15 : memref<!tpu.dma_semaphore, #tpu.memory_space<semaphore_mem>>) src(%arg9 : memref<128x128xf32, #tpu.memory_space<vmem>>) dst(%dma_wait3A_58 : memref<128x128xf32, #tpu.memory_space<hbm>>)
    %dma_start3A_59 = arith.constant 2 : i32
    %dma_start3A_60 = arith.constant 0 : i32
    %dma_start3A_61 = tpu.memref_slice %arg7[%dma_start3A_59, %dma_start3A_60] : memref<4x128xi32, #tpu.memory_space<vmem>> -> memref<1x128xi32, #tpu.memory_space<vmem>>
    %dma_start3A_62 = tpu.memref_squeeze %dma_start3A_61 : memref<1x128xi32, #tpu.memory_space<vmem>> -> memref<128xi32, #tpu.memory_space<vmem>>
    %dma_start3A_63 = arith.constant 0 : i32
    %dma_start3A_64 = arith.constant 0 : i32
    %dma_start3A_65 = tpu.memref_slice %arg4[%dma_start3A_63, %dma_start3A_64] : memref<100001x128xf32, #tpu.memory_space<hbm>> -> memref<100001x128xf32, #tpu.memory_space<hbm>>
    tpu.enqueue_indirect_dma source(%dma_start3A_65 : memref<100001x128xf32, #tpu.memory_space<hbm>>) target(%arg9 : memref<128x128xf32, #tpu.memory_space<vmem>>) offsets(%dma_start3A_62 : memref<128xi32, #tpu.memory_space<vmem>>) semaphore(%arg13 : memref<!tpu.dma_semaphore, #tpu.memory_space<semaphore_mem>>)
    %dma_start3A_66 = arith.constant 2 : i32
    %dma_start3A_67 = arith.constant 0 : i32
    %dma_start3A_68 = tpu.memref_slice %arg8[%dma_start3A_66, %dma_start3A_67] : memref<4x128xi32, #tpu.memory_space<vmem>> -> memref<1x128xi32, #tpu.memory_space<vmem>>
    %dma_start3A_69 = tpu.memref_squeeze %dma_start3A_68 : memref<1x128xi32, #tpu.memory_space<vmem>> -> memref<128xi32, #tpu.memory_space<vmem>>
    %dma_start3A_70 = arith.constant 0 : i32
    %dma_start3A_71 = arith.constant 0 : i32
    %dma_start3A_72 = tpu.memref_slice %arg5[%dma_start3A_70, %dma_start3A_71] : memref<1001x128xf32, #tpu.memory_space<hbm>> -> memref<1001x128xf32, #tpu.memory_space<hbm>>
    tpu.enqueue_indirect_dma source(%dma_start3A_72 : memref<1001x128xf32, #tpu.memory_space<hbm>>) target(%arg11 : memref<128x128xf32, #tpu.memory_space<vmem>>) offsets(%dma_start3A_69 : memref<128xi32, #tpu.memory_space<vmem>>) semaphore(%arg13 : memref<!tpu.dma_semaphore, #tpu.memory_space<semaphore_mem>>)
    %dma_wait3A_73 = arith.constant 1 : i32
    %dma_wait3A_74 = arith.constant 0 : i32
    %dma_wait3A_75 = tpu.memref_slice %arg7[%dma_wait3A_73, %dma_wait3A_74] : memref<4x128xi32, #tpu.memory_space<vmem>> -> memref<1x128xi32, #tpu.memory_space<vmem>>
    %dma_wait3A_76 = tpu.memref_squeeze %dma_wait3A_75 : memref<1x128xi32, #tpu.memory_space<vmem>> -> memref<128xi32, #tpu.memory_space<vmem>>
    %dma_wait3A_77 = arith.constant 0 : i32
    %dma_wait3A_78 = arith.constant 0 : i32
    %dma_wait3A_79 = tpu.memref_slice %arg4[%dma_wait3A_77, %dma_wait3A_78] : memref<100001x128xf32, #tpu.memory_space<hbm>> -> memref<100001x128xf32, #tpu.memory_space<hbm>>
    tpu.wait_indirect_dma semaphore(%arg14 : memref<!tpu.dma_semaphore, #tpu.memory_space<semaphore_mem>>) src(%dma_wait3A_79 : memref<100001x128xf32, #tpu.memory_space<hbm>>) dst(%arg10 : memref<128x128xf32, #tpu.memory_space<vmem>>)
    %dma_wait3A_80 = arith.constant 1 : i32
    %dma_wait3A_81 = arith.constant 0 : i32
    %dma_wait3A_82 = tpu.memref_slice %arg8[%dma_wait3A_80, %dma_wait3A_81] : memref<4x128xi32, #tpu.memory_space<vmem>> -> memref<1x128xi32, #tpu.memory_space<vmem>>
    %dma_wait3A_83 = tpu.memref_squeeze %dma_wait3A_82 : memref<1x128xi32, #tpu.memory_space<vmem>> -> memref<128xi32, #tpu.memory_space<vmem>>
    %dma_wait3A_84 = arith.constant 0 : i32
    %dma_wait3A_85 = arith.constant 0 : i32
    %dma_wait3A_86 = tpu.memref_slice %arg5[%dma_wait3A_84, %dma_wait3A_85] : memref<1001x128xf32, #tpu.memory_space<hbm>> -> memref<1001x128xf32, #tpu.memory_space<hbm>>
    tpu.wait_indirect_dma semaphore(%arg14 : memref<!tpu.dma_semaphore, #tpu.memory_space<semaphore_mem>>) src(%dma_wait3A_86 : memref<1001x128xf32, #tpu.memory_space<hbm>>) dst(%arg12 : memref<128x128xf32, #tpu.memory_space<vmem>>)
    %scan3A_87 = arith.constant 0 : i32
    %scan3A_88 = arith.constant 128 : i32
    %scan3A_89 = arith.addi %scan3A_87, %scan3A_88 : i32
    %scan3A_90 = arith.constant 1 : i32
    scf.for %scan3A_174 = %scan3A_87 to %scan3A_89 step %scan3A_90  : i32 {
      %get3A = arith.index_cast %scan3A_174 : i32 to index
      %get3A_175 = arith.constant 64 : index
      %get3A_176 = tpu.vector_load %arg12[%get3A, %get3A_175] {strides = array<i32>} : memref<128x128xf32, #tpu.memory_space<vmem>>, vector<1x16xf32>,
      %get3A_177 = vector.shape_cast %get3A_176 : vector<1x16xf32> to vector<16xf32>
      %swap3A = arith.index_cast %scan3A_174 : i32 to index
      %swap3A_178 = arith.constant 64 : index
      %swap3A_179 = tpu.vector_load %arg10[%swap3A, %swap3A_178] {strides = array<i32>} : memref<128x128xf32, #tpu.memory_space<vmem>>, vector<1x16xf32>,
      %swap3A_180 = vector.shape_cast %swap3A_179 : vector<1x16xf32> to vector<16xf32>
      %swap3A_181 = vector.shape_cast %get3A_177 : vector<16xf32> to vector<1x16xf32>
      tpu.vector_store %arg10[%swap3A, %swap3A_178], %swap3A_181 {strides = array<i32>} : memref<128x128xf32, #tpu.memory_space<vmem>>, vector<1x16xf32>,
      %get3A_182 = arith.index_cast %scan3A_174 : i32 to index
      %get3A_183 = arith.constant 80 : index
      %get3A_184 = tpu.vector_load %arg12[%get3A_182, %get3A_183] {strides = array<i32>} : memref<128x128xf32, #tpu.memory_space<vmem>>, vector<1x16xf32>,
      %get3A_185 = vector.shape_cast %get3A_184 : vector<1x16xf32> to vector<16xf32>
      %swap3A_186 = arith.index_cast %scan3A_174 : i32 to index
      %swap3A_187 = arith.constant 80 : index
      %swap3A_188 = tpu.vector_load %arg10[%swap3A_186, %swap3A_187] {strides = array<i32>} : memref<128x128xf32, #tpu.memory_space<vmem>>, vector<1x16xf32>,
      %swap3A_189 = vector.shape_cast %swap3A_188 : vector<1x16xf32> to vector<16xf32>
      %swap3A_190 = vector.shape_cast %get3A_185 : vector<16xf32> to vector<1x16xf32>
      tpu.vector_store %arg10[%swap3A_186, %swap3A_187], %swap3A_190 {strides = array<i32>} : memref<128x128xf32, #tpu.memory_space<vmem>>, vector<1x16xf32>,
      %get3A_191 = arith.index_cast %scan3A_174 : i32 to index
      %get3A_192 = arith.constant 96 : index
      %get3A_193 = tpu.vector_load %arg12[%get3A_191, %get3A_192] {strides = array<i32>} : memref<128x128xf32, #tpu.memory_space<vmem>>, vector<1x16xf32>,
      %get3A_194 = vector.shape_cast %get3A_193 : vector<1x16xf32> to vector<16xf32>
      %swap3A_195 = arith.index_cast %scan3A_174 : i32 to index
      %swap3A_196 = arith.constant 96 : index
      %swap3A_197 = tpu.vector_load %arg10[%swap3A_195, %swap3A_196] {strides = array<i32>} : memref<128x128xf32, #tpu.memory_space<vmem>>, vector<1x16xf32>,
      %swap3A_198 = vector.shape_cast %swap3A_197 : vector<1x16xf32> to vector<16xf32>
      %swap3A_199 = vector.shape_cast %get3A_194 : vector<16xf32> to vector<1x16xf32>
      tpu.vector_store %arg10[%swap3A_195, %swap3A_196], %swap3A_199 {strides = array<i32>} : memref<128x128xf32, #tpu.memory_space<vmem>>, vector<1x16xf32>,
      %get3A_200 = arith.index_cast %scan3A_174 : i32 to index
      %get3A_201 = arith.constant 112 : index
      %get3A_202 = tpu.vector_load %arg12[%get3A_200, %get3A_201] {strides = array<i32>} : memref<128x128xf32, #tpu.memory_space<vmem>>, vector<1x16xf32>,
      %get3A_203 = vector.shape_cast %get3A_202 : vector<1x16xf32> to vector<16xf32>
      %swap3A_204 = arith.index_cast %scan3A_174 : i32 to index
      %swap3A_205 = arith.constant 112 : index
      %swap3A_206 = tpu.vector_load %arg10[%swap3A_204, %swap3A_205] {strides = array<i32>} : memref<128x128xf32, #tpu.memory_space<vmem>>, vector<1x16xf32>,
      %swap3A_207 = vector.shape_cast %swap3A_206 : vector<1x16xf32> to vector<16xf32>
      %swap3A_208 = vector.shape_cast %get3A_203 : vector<16xf32> to vector<1x16xf32>
      tpu.vector_store %arg10[%swap3A_204, %swap3A_205], %swap3A_208 {strides = array<i32>} : memref<128x128xf32, #tpu.memory_space<vmem>>, vector<1x16xf32>,
    }
    %scan3A_91 = arith.constant 128 : i32
    %add3A_92 = arith.constant 128 : i32
    %add3A_93 = arith.addi %mul3A_2, %add3A_92 : i32
    %dma_start3A_94 = arith.constant 0 : i32
    %dma_start3A_95 = tpu.memref_slice %arg6[%add3A_93, %dma_start3A_94] : memref<16384x128xf32, #tpu.memory_space<hbm>> -> memref<128x128xf32, #tpu.memory_space<hbm>>
    %dma_start3A_96 = arith.constant 0 : i32
    %dma_start3A_97 = tpu.memref_slice %arg6[%add3A_93, %dma_start3A_96] : memref<16384x128xf32, #tpu.memory_space<hbm>> -> memref<128x128xf32, #tpu.memory_space<hbm>>
    tpu.enqueue_dma source(%arg10 : memref<128x128xf32, #tpu.memory_space<vmem>>) target(%dma_start3A_97 : memref<128x128xf32, #tpu.memory_space<hbm>>) target_semaphore(%arg16 : memref<!tpu.dma_semaphore, #tpu.memory_space<semaphore_mem>>)
    %dma_wait3A_98 = arith.constant 0 : i32
    %dma_wait3A_99 = tpu.memref_slice %arg6[%add3A_93, %dma_wait3A_98] : memref<16384x128xf32, #tpu.memory_space<hbm>> -> memref<128x128xf32, #tpu.memory_space<hbm>>
    %dma_wait3A_100 = arith.constant 0 : i32
    %dma_wait3A_101 = tpu.memref_slice %arg6[%add3A_93, %dma_wait3A_100] : memref<16384x128xf32, #tpu.memory_space<hbm>> -> memref<128x128xf32, #tpu.memory_space<hbm>>
    tpu.wait_dma2 semaphore(%arg16 : memref<!tpu.dma_semaphore, #tpu.memory_space<semaphore_mem>>) src(%arg10 : memref<128x128xf32, #tpu.memory_space<vmem>>) dst(%dma_wait3A_101 : memref<128x128xf32, #tpu.memory_space<hbm>>)
    %dma_start3A_102 = arith.constant 3 : i32
    %dma_start3A_103 = arith.constant 0 : i32
    %dma_start3A_104 = tpu.memref_slice %arg7[%dma_start3A_102, %dma_start3A_103] : memref<4x128xi32, #tpu.memory_space<vmem>> -> memref<1x128xi32, #tpu.memory_space<vmem>>
    %dma_start3A_105 = tpu.memref_squeeze %dma_start3A_104 : memref<1x128xi32, #tpu.memory_space<vmem>> -> memref<128xi32, #tpu.memory_space<vmem>>
    %dma_start3A_106 = arith.constant 0 : i32
    %dma_start3A_107 = arith.constant 0 : i32
    %dma_start3A_108 = tpu.memref_slice %arg4[%dma_start3A_106, %dma_start3A_107] : memref<100001x128xf32, #tpu.memory_space<hbm>> -> memref<100001x128xf32, #tpu.memory_space<hbm>>
    tpu.enqueue_indirect_dma source(%dma_start3A_108 : memref<100001x128xf32, #tpu.memory_space<hbm>>) target(%arg10 : memref<128x128xf32, #tpu.memory_space<vmem>>) offsets(%dma_start3A_105 : memref<128xi32, #tpu.memory_space<vmem>>) semaphore(%arg14 : memref<!tpu.dma_semaphore, #tpu.memory_space<semaphore_mem>>)
    %dma_start3A_109 = arith.constant 3 : i32
    %dma_start3A_110 = arith.constant 0 : i32
    %dma_start3A_111 = tpu.memref_slice %arg8[%dma_start3A_109, %dma_start3A_110] : memref<4x128xi32, #tpu.memory_space<vmem>> -> memref<1x128xi32, #tpu.memory_space<vmem>>
    %dma_start3A_112 = tpu.memref_squeeze %dma_start3A_111 : memref<1x128xi32, #tpu.memory_space<vmem>> -> memref<128xi32, #tpu.memory_space<vmem>>
    %dma_start3A_113 = arith.constant 0 : i32
    %dma_start3A_114 = arith.constant 0 : i32
    %dma_start3A_115 = tpu.memref_slice %arg5[%dma_start3A_113, %dma_start3A_114] : memref<1001x128xf32, #tpu.memory_space<hbm>> -> memref<1001x128xf32, #tpu.memory_space<hbm>>
    tpu.enqueue_indirect_dma source(%dma_start3A_115 : memref<1001x128xf32, #tpu.memory_space<hbm>>) target(%arg12 : memref<128x128xf32, #tpu.memory_space<vmem>>) offsets(%dma_start3A_112 : memref<128xi32, #tpu.memory_space<vmem>>) semaphore(%arg14 : memref<!tpu.dma_semaphore, #tpu.memory_space<semaphore_mem>>)
    %dma_wait3A_116 = arith.constant 2 : i32
    %dma_wait3A_117 = arith.constant 0 : i32
    %dma_wait3A_118 = tpu.memref_slice %arg7[%dma_wait3A_116, %dma_wait3A_117] : memref<4x128xi32, #tpu.memory_space<vmem>> -> memref<1x128xi32, #tpu.memory_space<vmem>>
    %dma_wait3A_119 = tpu.memref_squeeze %dma_wait3A_118 : memref<1x128xi32, #tpu.memory_space<vmem>> -> memref<128xi32, #tpu.memory_space<vmem>>
    %dma_wait3A_120 = arith.constant 0 : i32
    %dma_wait3A_121 = arith.constant 0 : i32
    %dma_wait3A_122 = tpu.memref_slice %arg4[%dma_wait3A_120, %dma_wait3A_121] : memref<100001x128xf32, #tpu.memory_space<hbm>> -> memref<100001x128xf32, #tpu.memory_space<hbm>>
    tpu.wait_indirect_dma semaphore(%arg13 : memref<!tpu.dma_semaphore, #tpu.memory_space<semaphore_mem>>) src(%dma_wait3A_122 : memref<100001x128xf32, #tpu.memory_space<hbm>>) dst(%arg9 : memref<128x128xf32, #tpu.memory_space<vmem>>)
    %dma_wait3A_123 = arith.constant 2 : i32
    %dma_wait3A_124 = arith.constant 0 : i32
    %dma_wait3A_125 = tpu.memref_slice %arg8[%dma_wait3A_123, %dma_wait3A_124] : memref<4x128xi32, #tpu.memory_space<vmem>> -> memref<1x128xi32, #tpu.memory_space<vmem>>
    %dma_wait3A_126 = tpu.memref_squeeze %dma_wait3A_125 : memref<1x128xi32, #tpu.memory_space<vmem>> -> memref<128xi32, #tpu.memory_space<vmem>>
    %dma_wait3A_127 = arith.constant 0 : i32
    %dma_wait3A_128 = arith.constant 0 : i32
    %dma_wait3A_129 = tpu.memref_slice %arg5[%dma_wait3A_127, %dma_wait3A_128] : memref<1001x128xf32, #tpu.memory_space<hbm>> -> memref<1001x128xf32, #tpu.memory_space<hbm>>
    tpu.wait_indirect_dma semaphore(%arg13 : memref<!tpu.dma_semaphore, #tpu.memory_space<semaphore_mem>>) src(%dma_wait3A_129 : memref<1001x128xf32, #tpu.memory_space<hbm>>) dst(%arg11 : memref<128x128xf32, #tpu.memory_space<vmem>>)
    %scan3A_130 = arith.constant 0 : i32
    %scan3A_131 = arith.constant 128 : i32
    %scan3A_132 = arith.addi %scan3A_130, %scan3A_131 : i32
    %scan3A_133 = arith.constant 1 : i32
    scf.for %scan3A_174 = %scan3A_130 to %scan3A_132 step %scan3A_133  : i32 {
      %get3A = arith.index_cast %scan3A_174 : i32 to index
      %get3A_175 = arith.constant 64 : index
      %get3A_176 = tpu.vector_load %arg11[%get3A, %get3A_175] {strides = array<i32>} : memref<128x128xf32, #tpu.memory_space<vmem>>, vector<1x16xf32>,
      %get3A_177 = vector.shape_cast %get3A_176 : vector<1x16xf32> to vector<16xf32>
      %swap3A = arith.index_cast %scan3A_174 : i32 to index
      %swap3A_178 = arith.constant 64 : index
      %swap3A_179 = tpu.vector_load %arg9[%swap3A, %swap3A_178] {strides = array<i32>} : memref<128x128xf32, #tpu.memory_space<vmem>>, vector<1x16xf32>,
      %swap3A_180 = vector.shape_cast %swap3A_179 : vector<1x16xf32> to vector<16xf32>
      %swap3A_181 = vector.shape_cast %get3A_177 : vector<16xf32> to vector<1x16xf32>
      tpu.vector_store %arg9[%swap3A, %swap3A_178], %swap3A_181 {strides = array<i32>} : memref<128x128xf32, #tpu.memory_space<vmem>>, vector<1x16xf32>,
      %get3A_182 = arith.index_cast %scan3A_174 : i32 to index
      %get3A_183 = arith.constant 80 : index
      %get3A_184 = tpu.vector_load %arg11[%get3A_182, %get3A_183] {strides = array<i32>} : memref<128x128xf32, #tpu.memory_space<vmem>>, vector<1x16xf32>,
      %get3A_185 = vector.shape_cast %get3A_184 : vector<1x16xf32> to vector<16xf32>
      %swap3A_186 = arith.index_cast %scan3A_174 : i32 to index
      %swap3A_187 = arith.constant 80 : index
      %swap3A_188 = tpu.vector_load %arg9[%swap3A_186, %swap3A_187] {strides = array<i32>} : memref<128x128xf32, #tpu.memory_space<vmem>>, vector<1x16xf32>,
      %swap3A_189 = vector.shape_cast %swap3A_188 : vector<1x16xf32> to vector<16xf32>
      %swap3A_190 = vector.shape_cast %get3A_185 : vector<16xf32> to vector<1x16xf32>
      tpu.vector_store %arg9[%swap3A_186, %swap3A_187], %swap3A_190 {strides = array<i32>} : memref<128x128xf32, #tpu.memory_space<vmem>>, vector<1x16xf32>,
      %get3A_191 = arith.index_cast %scan3A_174 : i32 to index
      %get3A_192 = arith.constant 96 : index
      %get3A_193 = tpu.vector_load %arg11[%get3A_191, %get3A_192] {strides = array<i32>} : memref<128x128xf32, #tpu.memory_space<vmem>>, vector<1x16xf32>,
      %get3A_194 = vector.shape_cast %get3A_193 : vector<1x16xf32> to vector<16xf32>
      %swap3A_195 = arith.index_cast %scan3A_174 : i32 to index
      %swap3A_196 = arith.constant 96 : index
      %swap3A_197 = tpu.vector_load %arg9[%swap3A_195, %swap3A_196] {strides = array<i32>} : memref<128x128xf32, #tpu.memory_space<vmem>>, vector<1x16xf32>,
      %swap3A_198 = vector.shape_cast %swap3A_197 : vector<1x16xf32> to vector<16xf32>
      %swap3A_199 = vector.shape_cast %get3A_194 : vector<16xf32> to vector<1x16xf32>
      tpu.vector_store %arg9[%swap3A_195, %swap3A_196], %swap3A_199 {strides = array<i32>} : memref<128x128xf32, #tpu.memory_space<vmem>>, vector<1x16xf32>,
      %get3A_200 = arith.index_cast %scan3A_174 : i32 to index
      %get3A_201 = arith.constant 112 : index
      %get3A_202 = tpu.vector_load %arg11[%get3A_200, %get3A_201] {strides = array<i32>} : memref<128x128xf32, #tpu.memory_space<vmem>>, vector<1x16xf32>,
      %get3A_203 = vector.shape_cast %get3A_202 : vector<1x16xf32> to vector<16xf32>
      %swap3A_204 = arith.index_cast %scan3A_174 : i32 to index
      %swap3A_205 = arith.constant 112 : index
      %swap3A_206 = tpu.vector_load %arg9[%swap3A_204, %swap3A_205] {strides = array<i32>} : memref<128x128xf32, #tpu.memory_space<vmem>>, vector<1x16xf32>,
      %swap3A_207 = vector.shape_cast %swap3A_206 : vector<1x16xf32> to vector<16xf32>
      %swap3A_208 = vector.shape_cast %get3A_203 : vector<16xf32> to vector<1x16xf32>
      tpu.vector_store %arg9[%swap3A_204, %swap3A_205], %swap3A_208 {strides = array<i32>} : memref<128x128xf32, #tpu.memory_space<vmem>>, vector<1x16xf32>,
    }
    %scan3A_134 = arith.constant 128 : i32
    %add3A_135 = arith.constant 256 : i32
    %add3A_136 = arith.addi %mul3A_2, %add3A_135 : i32
    %dma_start3A_137 = arith.constant 0 : i32
    %dma_start3A_138 = tpu.memref_slice %arg6[%add3A_136, %dma_start3A_137] : memref<16384x128xf32, #tpu.memory_space<hbm>> -> memref<128x128xf32, #tpu.memory_space<hbm>>
    %dma_start3A_139 = arith.constant 0 : i32
    %dma_start3A_140 = tpu.memref_slice %arg6[%add3A_136, %dma_start3A_139] : memref<16384x128xf32, #tpu.memory_space<hbm>> -> memref<128x128xf32, #tpu.memory_space<hbm>>
    tpu.enqueue_dma source(%arg9 : memref<128x128xf32, #tpu.memory_space<vmem>>) target(%dma_start3A_140 : memref<128x128xf32, #tpu.memory_space<hbm>>) target_semaphore(%arg15 : memref<!tpu.dma_semaphore, #tpu.memory_space<semaphore_mem>>)
    %dma_wait3A_141 = arith.constant 3 : i32
    %dma_wait3A_142 = arith.constant 0 : i32
    %dma_wait3A_143 = tpu.memref_slice %arg7[%dma_wait3A_141, %dma_wait3A_142] : memref<4x128xi32, #tpu.memory_space<vmem>> -> memref<1x128xi32, #tpu.memory_space<vmem>>
    %dma_wait3A_144 = tpu.memref_squeeze %dma_wait3A_143 : memref<1x128xi32, #tpu.memory_space<vmem>> -> memref<128xi32, #tpu.memory_space<vmem>>
    %dma_wait3A_145 = arith.constant 0 : i32
    %dma_wait3A_146 = arith.constant 0 : i32
    %dma_wait3A_147 = tpu.memref_slice %arg4[%dma_wait3A_145, %dma_wait3A_146] : memref<100001x128xf32, #tpu.memory_space<hbm>> -> memref<100001x128xf32, #tpu.memory_space<hbm>>
    tpu.wait_indirect_dma semaphore(%arg14 : memref<!tpu.dma_semaphore, #tpu.memory_space<semaphore_mem>>) src(%dma_wait3A_147 : memref<100001x128xf32, #tpu.memory_space<hbm>>) dst(%arg10 : memref<128x128xf32, #tpu.memory_space<vmem>>)
    %dma_wait3A_148 = arith.constant 3 : i32
    %dma_wait3A_149 = arith.constant 0 : i32
    %dma_wait3A_150 = tpu.memref_slice %arg8[%dma_wait3A_148, %dma_wait3A_149] : memref<4x128xi32, #tpu.memory_space<vmem>> -> memref<1x128xi32, #tpu.memory_space<vmem>>
    %dma_wait3A_151 = tpu.memref_squeeze %dma_wait3A_150 : memref<1x128xi32, #tpu.memory_space<vmem>> -> memref<128xi32, #tpu.memory_space<vmem>>
    %dma_wait3A_152 = arith.constant 0 : i32
    %dma_wait3A_153 = arith.constant 0 : i32
    %dma_wait3A_154 = tpu.memref_slice %arg5[%dma_wait3A_152, %dma_wait3A_153] : memref<1001x128xf32, #tpu.memory_space<hbm>> -> memref<1001x128xf32, #tpu.memory_space<hbm>>
    tpu.wait_indirect_dma semaphore(%arg14 : memref<!tpu.dma_semaphore, #tpu.memory_space<semaphore_mem>>) src(%dma_wait3A_154 : memref<1001x128xf32, #tpu.memory_space<hbm>>) dst(%arg12 : memref<128x128xf32, #tpu.memory_space<vmem>>)
    %scan3A_155 = arith.constant 0 : i32
    %scan3A_156 = arith.constant 128 : i32
    %scan3A_157 = arith.addi %scan3A_155, %scan3A_156 : i32
    %scan3A_158 = arith.constant 1 : i32
    scf.for %scan3A_174 = %scan3A_155 to %scan3A_157 step %scan3A_158  : i32 {
      %get3A = arith.index_cast %scan3A_174 : i32 to index
      %get3A_175 = arith.constant 64 : index
      %get3A_176 = tpu.vector_load %arg12[%get3A, %get3A_175] {strides = array<i32>} : memref<128x128xf32, #tpu.memory_space<vmem>>, vector<1x16xf32>,
      %get3A_177 = vector.shape_cast %get3A_176 : vector<1x16xf32> to vector<16xf32>
      %swap3A = arith.index_cast %scan3A_174 : i32 to index
      %swap3A_178 = arith.constant 64 : index
      %swap3A_179 = tpu.vector_load %arg10[%swap3A, %swap3A_178] {strides = array<i32>} : memref<128x128xf32, #tpu.memory_space<vmem>>, vector<1x16xf32>,
      %swap3A_180 = vector.shape_cast %swap3A_179 : vector<1x16xf32> to vector<16xf32>
      %swap3A_181 = vector.shape_cast %get3A_177 : vector<16xf32> to vector<1x16xf32>
      tpu.vector_store %arg10[%swap3A, %swap3A_178], %swap3A_181 {strides = array<i32>} : memref<128x128xf32, #tpu.memory_space<vmem>>, vector<1x16xf32>,
      %get3A_182 = arith.index_cast %scan3A_174 : i32 to index
      %get3A_183 = arith.constant 80 : index
      %get3A_184 = tpu.vector_load %arg12[%get3A_182, %get3A_183] {strides = array<i32>} : memref<128x128xf32, #tpu.memory_space<vmem>>, vector<1x16xf32>,
      %get3A_185 = vector.shape_cast %get3A_184 : vector<1x16xf32> to vector<16xf32>
      %swap3A_186 = arith.index_cast %scan3A_174 : i32 to index
      %swap3A_187 = arith.constant 80 : index
      %swap3A_188 = tpu.vector_load %arg10[%swap3A_186, %swap3A_187] {strides = array<i32>} : memref<128x128xf32, #tpu.memory_space<vmem>>, vector<1x16xf32>,
      %swap3A_189 = vector.shape_cast %swap3A_188 : vector<1x16xf32> to vector<16xf32>
      %swap3A_190 = vector.shape_cast %get3A_185 : vector<16xf32> to vector<1x16xf32>
      tpu.vector_store %arg10[%swap3A_186, %swap3A_187], %swap3A_190 {strides = array<i32>} : memref<128x128xf32, #tpu.memory_space<vmem>>, vector<1x16xf32>,
      %get3A_191 = arith.index_cast %scan3A_174 : i32 to index
      %get3A_192 = arith.constant 96 : index
      %get3A_193 = tpu.vector_load %arg12[%get3A_191, %get3A_192] {strides = array<i32>} : memref<128x128xf32, #tpu.memory_space<vmem>>, vector<1x16xf32>,
      %get3A_194 = vector.shape_cast %get3A_193 : vector<1x16xf32> to vector<16xf32>
      %swap3A_195 = arith.index_cast %scan3A_174 : i32 to index
      %swap3A_196 = arith.constant 96 : index
      %swap3A_197 = tpu.vector_load %arg10[%swap3A_195, %swap3A_196] {strides = array<i32>} : memref<128x128xf32, #tpu.memory_space<vmem>>, vector<1x16xf32>,
      %swap3A_198 = vector.shape_cast %swap3A_197 : vector<1x16xf32> to vector<16xf32>
      %swap3A_199 = vector.shape_cast %get3A_194 : vector<16xf32> to vector<1x16xf32>
      tpu.vector_store %arg10[%swap3A_195, %swap3A_196], %swap3A_199 {strides = array<i32>} : memref<128x128xf32, #tpu.memory_space<vmem>>, vector<1x16xf32>,
      %get3A_200 = arith.index_cast %scan3A_174 : i32 to index
      %get3A_201 = arith.constant 112 : index
      %get3A_202 = tpu.vector_load %arg12[%get3A_200, %get3A_201] {strides = array<i32>} : memref<128x128xf32, #tpu.memory_space<vmem>>, vector<1x16xf32>,
      %get3A_203 = vector.shape_cast %get3A_202 : vector<1x16xf32> to vector<16xf32>
      %swap3A_204 = arith.index_cast %scan3A_174 : i32 to index
      %swap3A_205 = arith.constant 112 : index
      %swap3A_206 = tpu.vector_load %arg10[%swap3A_204, %swap3A_205] {strides = array<i32>} : memref<128x128xf32, #tpu.memory_space<vmem>>, vector<1x16xf32>,
      %swap3A_207 = vector.shape_cast %swap3A_206 : vector<1x16xf32> to vector<16xf32>
      %swap3A_208 = vector.shape_cast %get3A_203 : vector<16xf32> to vector<1x16xf32>
      tpu.vector_store %arg10[%swap3A_204, %swap3A_205], %swap3A_208 {strides = array<i32>} : memref<128x128xf32, #tpu.memory_space<vmem>>, vector<1x16xf32>,
    }
    %scan3A_159 = arith.constant 128 : i32
    %add3A_160 = arith.constant 384 : i32
    %add3A_161 = arith.addi %mul3A_2, %add3A_160 : i32
    %dma_start3A_162 = arith.constant 0 : i32
    %dma_start3A_163 = tpu.memref_slice %arg6[%add3A_161, %dma_start3A_162] : memref<16384x128xf32, #tpu.memory_space<hbm>> -> memref<128x128xf32, #tpu.memory_space<hbm>>
    %dma_start3A_164 = arith.constant 0 : i32
    %dma_start3A_165 = tpu.memref_slice %arg6[%add3A_161, %dma_start3A_164] : memref<16384x128xf32, #tpu.memory_space<hbm>> -> memref<128x128xf32, #tpu.memory_space<hbm>>
    tpu.enqueue_dma source(%arg10 : memref<128x128xf32, #tpu.memory_space<vmem>>) target(%dma_start3A_165 : memref<128x128xf32, #tpu.memory_space<hbm>>) target_semaphore(%arg16 : memref<!tpu.dma_semaphore, #tpu.memory_space<semaphore_mem>>)
    %dma_wait3A_166 = arith.constant 0 : i32
    %dma_wait3A_167 = tpu.memref_slice %arg6[%add3A_136, %dma_wait3A_166] : memref<16384x128xf32, #tpu.memory_space<hbm>> -> memref<128x128xf32, #tpu.memory_space<hbm>>
    %dma_wait3A_168 = arith.constant 0 : i32
    %dma_wait3A_169 = tpu.memref_slice %arg6[%add3A_136, %dma_wait3A_168] : memref<16384x128xf32, #tpu.memory_space<hbm>> -> memref<128x128xf32, #tpu.memory_space<hbm>>
    tpu.wait_dma2 semaphore(%arg15 : memref<!tpu.dma_semaphore, #tpu.memory_space<semaphore_mem>>) src(%arg9 : memref<128x128xf32, #tpu.memory_space<vmem>>) dst(%dma_wait3A_169 : memref<128x128xf32, #tpu.memory_space<hbm>>)
    %dma_wait3A_170 = arith.constant 0 : i32
    %dma_wait3A_171 = tpu.memref_slice %arg6[%add3A_161, %dma_wait3A_170] : memref<16384x128xf32, #tpu.memory_space<hbm>> -> memref<128x128xf32, #tpu.memory_space<hbm>>
    %dma_wait3A_172 = arith.constant 0 : i32
    %dma_wait3A_173 = tpu.memref_slice %arg6[%add3A_161, %dma_wait3A_172] : memref<16384x128xf32, #tpu.memory_space<hbm>> -> memref<128x128xf32, #tpu.memory_space<hbm>>
    tpu.wait_dma2 semaphore(%arg16 : memref<!tpu.dma_semaphore, #tpu.memory_space<semaphore_mem>>) src(%arg10 : memref<128x128xf32, #tpu.memory_space<vmem>>) dst(%dma_wait3A_173 : memref<128x128xf32, #tpu.memory_space<hbm>>)
    return
  }
}

</mosaic_0001>

<sc_bundles>
// kernel: kernel.3.cloned.1.call-start
scs
__scs_entry_jumppad:
0x0: {  	(pc) =	sbr.rel $0x88, $3  }
0x1: {  	(tag) =	ssettag $0x0;
	lr =	simm.s32 $0x1  }
0x2: {  	[smem:$0x3F9D] =	sst lr;
	_ =	strace $0xD0000000  }
0x3: {  	_ = 	snop  }
0x4: {  	_ = 	snop  }
0x5: {  	_ = 	snop  }
0x6: {  	_ = 	snop  }
0x7: {  	_ = 	snop  }
__scs_overlays_trampoline_lowered:
0x8: {  	[smem:$0x3FAC] =	sst s0  }
0x9: {  	[smem:$0x3FAD] =	sst s1  }
0xa: {  	[smem:$0x3FAE] =	sst s2  }
0xb: {  	[smem:$0x3FAF] =	sst s3  }
0xc: {  	[smem:$0x3FB0] =	sst s4  }
0xd: {  	[smem:$0x3FB1] =	sst s5  }
0xe: {  	[smem:$0x3FB2] =	sst s6  }
0xf: {  	[smem:$0x3FB3] =	sst s7  }
0x10: {  	[smem:$0x3FB4] =	sst s8  }
0x11: {  	[smem:$0x3FB5] =	sst s9;
	s0 =	simm.s32 @!p0 $0x0  }
0x12: {  	s1 =	sld [smem:$0x3F9B];
	s0 =	simm.s32 @p0 $0x1  }
0x13: {  	[smem:$0x3FB6] =	sst s0;
	s0 =	simm.s32 @!p1 $0x0  }
0x14: {  	s2 =	sld [smem:$0x3F9A];
	s0 =	simm.s32 @p1 $0x1  }
0x15: {  	[smem:$0x3FB7] =	sst s0;
	s0 =	simm.s32 @!p2 $0x0  }
0x16: {  	s3 =	sld [smem:$0x3FDB];
	s0 =	simm.s32 @p2 $0x1  }
0x17: {  	s4 =	simm.s32 $0x1BF5;
	[smem:$0x3FB9] =	sst s0  }
0x18: {  	s0 =	sld [smem:$0x3F9C];
	_ =	swait.ge [sflag:s4], $0x0  }
0x19: {  	s7 =	sld [smem:$0x3F9D]  }
0x1a: {  	s8 =	sadd.s32 $0xFFFFE003, lr  }
0x1b: {  	s9 =	sadd.s32 $0xFFFFFEF7, lr;
	s5 =	simm.s32 $0xFFFFFFFF;
	p2 =	slt.u32 s8, $0xFFFFF086  }
0x1c: {  	p1 =	slt.u32 s9, $0xF7A;
	s5 =	simm.s32 @!p2 $0x0  }
0x1d: {  	s5 =	simm.s32 @p1 $0x1;
	p0 =	seq.s32 s7, s2  }
0x1e: {  	s7 =	smul.u32 @!p0 $0xF7A, s2;
	p2 =	seq.s32 @!p0 s5, $0x0  }
0x1f: {  	s9 =	smul.u32 $0xF7A, s1;
	s8 =	simm.s32 @!p0 $0x1BF5;
	p2 =	por !p2, p0  }
0x20: {  	[sflag:s8] =	ssyncset.s32 @!p0 $0xFFFFF086;
	s6 =	sadd.s32 @!p0 s3, s7;
	s7 =	simm.s32 @!p0 $0x108  }
0x21: {  	s3 =	sadd.s32 s3, s9;
	s6 =	sadd.s32 @!p0 $0x88, s6;
	s7 =	simm.s32 @p2 $0x1082  }
0x22: {  	[simem:s7], [sflag:s8] =	dma.local @!p0 [hbm:s6], $0xF7A  }
0x23: {  	s9 =	sor.u32 $0xD0000000, s2;
	s6 =	simm.s32 $0x108;
	_ =	swait.ge @!p0 [sflag:s8], $0x0  }
0x24: {  	s3 =	sadd.s32 $0x88, s3;
	s6 =	simm.s32 @!p1 $0x1082;
	[sflag:s4] =	ssyncset.s32 $0xFFFFF086  }
0x25: {  	[simem:s6], [sflag:s4] =	dma.local [hbm:s3], $0xF7A  }
0x26: {  	[smem:$0x3F9D] =	sst s1;
	(tag) =	ssettag s2;
	_ =	strace s9  }
0x27: {  	s1 =	sld [smem:$0x3FAD]  }
0x28: {  	s2 =	sld [smem:$0x3FAE]  }
0x29: {  	s4 =	sld [smem:$0x3FB0]  }
0x2a: {  	p0 =	seq.s32 s5, $0x0;
	s5 =	sld [smem:$0x3FB1]  }
0x2b: {  	s6 =	sld [smem:$0x3FB2]  }
0x2c: {  	s7 =	sld [smem:$0x3FB3]  }
0x2d: {  	s3 =	simm.s32 $0x108;
	s8 =	sld [smem:$0x3FB4]  }
0x2e: {  	s3 =	simm.s32 @!p0 $0x1082;
	s9 =	sld [smem:$0x3FB5]  }
0x2f: {  	lr =	sadd.s32 s0, s3;
	s0 =	sld [smem:$0x3FAC]  }
0x30: {  	s3 =	sld [smem:$0x3FAF]  }
0x31: {  	[smem:$0x3FB8] =	sst s10  }
0x32: {  	s10 =	sld [smem:$0x3FB6];
	_ =	sdelay $0x3  }
0x33: {  	p0 =	seq.s32 s10, $0x1;
	s10 =	sld [smem:$0x3FB8];
	_ =	sdelay $0x3  }
0x34: {  	[smem:$0x3FB8] =	sst s10  }
0x35: {  	s10 =	sld [smem:$0x3FB7];
	_ =	sdelay $0x3  }
0x36: {  	p1 =	seq.s32 s10, $0x1;
	s10 =	sld [smem:$0x3FB8];
	_ =	sdelay $0x3  }
0x37: {  	[smem:$0x3FB8] =	sst s10  }
0x38: {  	s10 =	sld [smem:$0x3FB9]  }
0x39: {  	_ = 	snop;
	(pc) =	sbr.ind lr, $3  }
0x3a: {  	_ = 	snop  }
0x3b: {  	_ = 	snop  }
0x3c: {  	p2 =	seq.s32 s10, $0x1;
	s10 =	sld [smem:$0x3FB8]  }
0x3d: {  	_ =	shalt  }
0x3e: {  	_ =	shalt  }
0x3f: {  	_ =	shalt  }
0x40: {  	_ =	shalt  }
0x41: {  	_ =	shalt  }
0x42: {  	_ =	shalt  }
0x43: {  	_ =	shalt  }
0x44: {  	_ =	shalt  }
0x45: {  	_ =	shalt  }
0x46: {  	_ =	shalt  }
0x47: {  	_ =	shalt  }
0x48: {  	_ =	shalt  }
0x49: {  	_ =	shalt  }
0x4a: {  	_ =	shalt  }
0x4b: {  	_ =	shalt  }
0x4c: {  	_ =	shalt  }
0x4d: {  	_ =	shalt  }
0x4e: {  	_ =	shalt  }
0x4f: {  	_ =	shalt  }
0x50: {  	_ =	shalt  }
0x51: {  	_ =	shalt  }
0x52: {  	_ =	shalt  }
0x53: {  	_ =	shalt  }
0x54: {  	_ =	shalt  }
0x55: {  	_ =	shalt  }
0x56: {  	_ =	shalt  }
0x57: {  	_ =	shalt  }
0x58: {  	_ =	shalt  }
0x59: {  	_ =	shalt  }
0x5a: {  	_ =	shalt  }
0x5b: {  	_ =	shalt  }
0x5c: {  	_ =	shalt  }
0x5d: {  	_ =	shalt  }
0x5e: {  	_ =	shalt  }
0x5f: {  	_ =	shalt  }
0x60: {  	_ =	shalt  }
0x61: {  	_ =	shalt  }
0x62: {  	_ =	shalt  }
0x63: {  	_ =	shalt  }
0x64: {  	_ =	shalt  }
0x65: {  	_ =	shalt  }
0x66: {  	_ =	shalt  }
0x67: {  	_ =	shalt  }
0x68: {  	_ =	shalt  }
0x69: {  	_ =	shalt  }
0x6a: {  	_ =	shalt  }
0x6b: {  	_ =	shalt  }
0x6c: {  	_ =	shalt  }
0x6d: {  	_ =	shalt  }
0x6e: {  	_ =	shalt  }
0x6f: {  	_ =	shalt  }
0x70: {  	_ =	shalt  }
0x71: {  	_ =	shalt  }
0x72: {  	_ =	shalt  }
0x73: {  	_ =	shalt  }
0x74: {  	_ =	shalt  }
0x75: {  	_ =	shalt  }
0x76: {  	_ =	shalt  }
0x77: {  	_ =	shalt  }
0x78: {  	_ =	shalt  }
0x79: {  	_ =	shalt  }
0x7a: {  	_ =	shalt  }
0x7b: {  	_ =	shalt  }
0x7c: {  	_ =	shalt  }
0x7d: {  	_ =	shalt  }
0x7e: {  	_ =	shalt  }
0x7f: {  	_ =	shalt  }
0x80: {  	_ =	shalt  }
0x81: {  	_ =	shalt  }
0x82: {  	_ =	shalt  }
0x83: {  	_ =	shalt  }
0x84: {  	_ =	shalt  }
0x85: {  	_ =	shalt  }
0x86: {  	_ =	shalt  }
0x87: {  	_ =	shalt  }
.Lfunc_end0:
.L_simem_size_0:
called_computation_lowered:
.L_overlay_start_0:
0x88: {  	s2 =	sld [smem:$0x3FD9]  }
0x89: {  	s3 =	sld [smem:$0x3FFE];
	_ =	sdelay $0x1  }
0x8a: {  	s1 =	srdreg.scid  }
0x8b: {  	s0 =	sand.u32 $0x1, s1  }
0x8c: {  	s17 =	sshll.u32 s0, $0xA;
	s2 =	sadd.s32 s3, s2  }
0x8d: {  	s2 =	sadd.s32 s2, s17  }
0x8e: {  	[smem:$0x3FC4] =	sst s2  }
0x8f: {  	_ = 	snop  }
0x90: {  	s2 =	sld [smem:$0x3FC9]  }
0x91: {  	s18 =	sld [smem:$0x3FC8]  }
0x92: {  	s4 =	sld [smem:$0x3FD0];
	(tm) =	ssettm $0x1  }
0x93: {  	s5 =	sld [smem:$0x3FFB];
	_ =	sdelay $0x3  }
0x94: {  	_ =	strace s5  }
0x95: {  	s5 =	sld [smem:$0x3FFC];
	_ =	sdelay $0x3  }
0x96: {  	_ =	strace s5  }
0x97: {  	s5 =	sld [smem:$0x3FFD];
	_ =	sdelay $0x3  }
0x98: {  	_ =	strace s5  }
0x99: {  	_ =	strace $0x8FFFFFFF  }
0x9a: {  	s19 =	sld [smem:$0x3FDB];
	_ =	sdelay $0x1  }
0x9b: {  	s6 =	simm.s32 $_scs_section_size  }
0x9c: {  	s7 =	simm.s32 $_size__tile_overlayer_lowered;
	s8 =	simm.s32 $_tile_overlayer_lowered  }
0x9d: {  	s22 =	simm.s32 $0x1BFF;
	s21 =	sshll.u32 s8, $0x1;
	s5 =	sadd.s32 s6, s19  }
0x9e: {  	s9 =	simm.s32 $0x0;
	s20 =	sshll.u32 s7, $0x1;
	s7 =	sadd.s32 s21, s5  }
0x9f: {  	[timem:s9], [sflag:s22] =	dma.local [hbm:s7], s20  }
0xa0: {  	_ =	swait.ge [sflag:s22], s20  }
0xa1: {  	s6 =	ssub.s32 $0x0, s20;
	[sflag:s22] =	ssyncset.done $0x0  }
0xa2: {  	[sflag:s22] =	ssyncadd.s32 s6;
	_ =	sdelay $0x1  }
0xa3: {  	s23 =	simm.s32 $0x1B8B  }
0xa4: {  	_ =	swait.ge [sflag:s23], $0x1  }
0xa5: {  	[sflag:s23] =	ssyncset.done $0x0  }
0xa6: {  	s25 =	simm.s32 $0x1B8E;
	s24 =	sld [smem:$0x3FFE];
	[sflag:s23] =	ssyncadd.s32 $0xFFFFFFFF  }
0xa7: {  	s26 =	simm.s32 $execute0_lowered;
	[smem:$0x3FD2] =	sst s25  }
0xa8: {  	s7 =	sshll.u32 s26, $0x1;
	_ =	strace $0x80000046;
	[dreg:$0x1] =	wrdreg $0xFFFFFFFF  }
0xa9: {  	s28 =	simm.s32 $_size_execute0_lowered;
	s5 =	sadd.s32 s5, s7;
	[dreg:$0x0] =	wrdreg $0x0  }
0xaa: {  	s7 =	sshll.u32 s28, $0x1;
	[dreg:$0x2] =	wrdreg s5  }
0xab: {  	[dreg:$0x3] =	wrdreg s7  }
0xac: {  	[dreg:$0x4] =	wrdreg $0xC0  }
0xad: {  	_ =	task [dreg:s9], $0x5FFFF  }
0xae: {  	[dreg:$0x1] =	wrdreg $0xFFFFFFFF  }
0xaf: {  	[dreg:$0x0] =	wrdreg $0x60  }
0xb0: {  	[dreg:$0x2] =	wrdreg s2  }
0xb1: {  	[dreg:$0x3] =	wrdreg s18  }
0xb2: {  	[dreg:$0x4] =	wrdreg s24  }
0xb3: {  	[dreg:$0x5] =	wrdreg s4  }
0xb4: {  	[dreg:$0x6] =	wrdreg $0x9  }
0xb5: {  	_ =	task.clear_ibuf [dreg:s9], $0x7FFFF;
	_ =	strace $0x90000046  }
0xb6: {  	s29 =	simm.s32 $0x9;
	_ =	strace $0x80000048  }
0xb7: {  	_ =	swait.ge [sflag:s29], $0x1  }
0xb8: {  	[sflag:s29] =	ssyncadd.s32 $0xFFFFFFFF  }
0xb9: {  	_ =	strace $0x90000048  }
0xba: {  	_ =	sfence  }
0xbb: {  	s30 =	sld [smem:$0x0];
	_ =	sdelay $0x2  }
0xbc: {  	s31 =	sshll.u32 s1, $0xD;
	s1 =	sshrl.u32 s1, $0x2  }
0xbd: {  	s3 =	sand.u32 $0x4000, s31;
	s1 =	sadd.s32 s1, s30  }
0xbe: {  	s0 =	sor.u32 s3, s0;
	s1 =	sshll.u32 s1, $0x11  }
0xbf: {  	s0 =	sor.u32 s1, s0  }
0xc0: {  	s0 =	sadd.s32 $0x8F2B, s0  }
0xc1: {  	[sflag:s0] =	ssyncadd.remote.s32 $0x1  }
0xc2: {  	_ =	sfence.sel $0xFFFF  }
0xc3: {  	[dreg:$0x0] =	wrdreg $0xFFFFFFFF;
	(pc) =	sbr.abs _section_cstart, $3  }
0xc4: {  	[dreg:$0x1] =	wrdreg $0xFFFFFFFF  }
0xc5: {  	_ =	task.clear_ibuf [dreg:s9], $0x2FFFF;
	_ =	strace $0x9FFFFFFF  }
0xc6: {  	(tm) =	ssettm $0x7FFFFFFF  }
0xc7: {  	_ =	shalt  }
tec
execute0_lowered:
.L_overlay_start_1:
0x0: {  	(tag) =	ssettag $0x1  }
0x1: {  	s5 =	rddreg [dreg:$0x0]  }
0x2: {  	s6 =	rddreg [dreg:$0x1]  }
0x3: {  	s4 =	rddreg [dreg:$0x2]  }
0x4: {  	s7 =	rddreg [dreg:$0x3];
	s1 =	simm.s32 $0x0;
	s2 =	srdreg.scid  }
0x5: {  	s15 =	simm.s32 $0x400;
	s16 =	simm.s32 $0x8400;
	s17 =	simm.s32 $0x4400  }
0x6: {  	s18 =	simm.s32 $0x280;
	s19 =	simm.s32 $0xC400;
	s20 =	simm.s32 $0x1  }
0x7: {  	s21 =	simm.s32 $0x3;
	s22 =	simm.s32 $0x100;
	s23 =	simm.s32 $0x300  }
0x8: {  	s24 =	simm.s32 $0x2;
	s25 =	simm.s32 $0x4;
	s26 =	simm.s32 $0x180  }
0x9: {  	s28 =	simm.s32 $0x380;
	s29 =	simm.s32 $0x0;
	[smem:$0x7FF] =	sst s1  }
0xa: {  	s8 =	sand.u32 $0x1, s2;
	s3 =	sadd.s32 $0x187200, s4;
	s2 =	stileid.u32  }
0xb: {  	s4 =	sadd.s32 $0x600, s4;
	_ =	strace $0x80000047;
	s9 =	ssub.s32 $0x2, s8  }
0xc: {  	s11 =	sshll.u32 s2, $0x7;
	s12 =	sshll.u32 s8, $0x6;
	s13 =	sshll.u32 s2, $0xE  }
0xd: {  	s8 =	sshll.u32 s8, $0xD;
	s10 =	sshrl.u32 s9, $0x1;
	s31 =	sor.u32 s12, s11  }
0xe: {  	s8 =	sor.u32 s8, s13;
	s12 =	simm.s32 $0x5;
	s13 =	simm.s32 $0x200  }
0xf: {  	s14 =	ssub.s32 s9, s10;
	s5 =	sadd.s32 s5, s31;
	s7 =	sadd.s32 s7, s8  }
0x10: {  	s6 =	sadd.s32 s6, s31;
	s8 =	sadd.s32 $0x800, s7;
	s9 =	sadd.s32 $0x1000, s7  }
0x11: {  	s10 =	sadd.s32 $0x1800, s7;
	s11 =	smax.u32 s14, $0x1;
	s14 =	simm.s32 $0x80  }
.LBB2_1:
0x12: {  	[tilespmem:s1], [sflag:$0x5] =	stream.linear.gather [hbm4b:s5+s1], $0x200, $0x38;
	[tilespmem:$0x10400] =	vst v63  }
0x13: {  	_ =	swait.ge [sflag:s12], $0x200  }
0x14: {  	[sflag:s12] =	ssyncset.done $0x0  }
0x15: {  	[sflag:s12] =	ssyncadd.s32 $0xFFFFFE00  }
0x16: {  	[tilespmem:s13], [sflag:$0x5] =	stream.linear.gather [hbm4b:s6+s1], $0x200, $0x38;
	[tilespmem:$0x10400] =	vst v63  }
0x17: {  	_ =	swait.ge [sflag:s12], $0x200  }
0x18: {  	[sflag:s12] =	ssyncset.done $0x0  }
0x19: {  	[sflag:s12] =	ssyncadd.s32 $0xFFFFFE00  }
0x1a: {  	[tilespmem:s15], [sflag:$0x1] =	stream.indirect.gather [hbm4b:s3+s14], $0x80, s1, s14, $0xb8;
	[tilespmem:$0x10400] =	vst v63  }
0x1b: {  	_ = 	snop  }
0x1c: {  	[tilespmem:s16], [sflag:$0x1] =	stream.indirect.gather [hbm4b:s4+s14], $0x80, s13, s14, $0xb8;
	[tilespmem:$0x10400] =	vst v63  }
0x1d: {  	_ = 	snop  }
0x1e: {  	[tilespmem:s17], [sflag:$0x2] =	stream.indirect.gather [hbm4b:s3+s14], $0x80, s14, s14, $0xb8;
	[tilespmem:$0x10400] =	vst v63  }
0x1f: {  	_ = 	snop  }
0x20: {  	[tilespmem:s19], [sflag:$0x2] =	stream.indirect.gather [hbm4b:s4+s14], $0x80, s18, s14, $0xb8;
	[tilespmem:$0x10400] =	vst v63  }
0x21: {  	_ =	swait.ge [sflag:s20], $0x4000  }
0x22: {  	[sflag:s20] =	ssyncset.done $0x0  }
0x23: {  	[sflag:s20] =	ssyncadd.s32 $0xFFFFC000  }
0x24: {  	_ =	swait.ge [sflag:s20], $0x4000  }
0x25: {  	[sflag:s20] =	ssyncset.done $0x0  }
0x26: {  	s30 =	simm.s32 $0x0;
	[sflag:s20] =	ssyncadd.s32 $0xFFFFC000  }
0x27: {  	v0 =	vld [tilespmem:s30+$0x8470]  }
0x28: {  	v1 =	vld [tilespmem:s30+$0x8440]  }
0x29: {  	v2 =	vld [tilespmem:s30+$0x8450]  }
0x2a: {  	s31 =	simm.s32 $0x200;
	v3 =	vld [tilespmem:s30+$0x8460]  }
.LBB2_2:
0x2b: {  	p0 =	sne.s32 s31, $0xFE00  }
.Ltmp0:
0x2c: {  	s0 =	sshra.s32 s31, $0x2;
	s31 =	sadd.s32 $0x200, s31;
	[tilespmem:s30+$0x470] =	vst v0;
	(pc) =	sbr.rel @p0 .LBB2_2-.Ltmp0, $4  }
0x2d: {  	v0 =	vld [tilespmem:s0+$0x8470];
	[tilespmem:s30+$0x440] =	vst v1  }
0x2e: {  	v1 =	vld [tilespmem:s0+$0x8440];
	[tilespmem:s30+$0x450] =	vst v2  }
0x2f: {  	v2 =	vld [tilespmem:s0+$0x8450];
	[tilespmem:s30+$0x460] =	vst v3;
	s30 =	smov.u32 s0  }
0x30: {  	v3 =	vld [tilespmem:s30+$0x8460]  }
0x31: {  	_ = 	snop  }
0x32: {  	[tilespmem:s30+$0x470] =	vst v0  }
0x33: {  	[tilespmem:s30+$0x440] =	vst v1  }
0x34: {  	[tilespmem:s30+$0x450] =	vst v2  }
0x35: {  	s0 =	simm.s32 $0x0;
	[tilespmem:s30+$0x460] =	vst v3  }
0x36: {  	[hbm4b:s7+s0] =	stream.linear.scatter [tilespmem:s15], [sflag:$0x3], $0x4000, $0x38;
	[tilespmem:$0x10400] =	vst v63  }
0x37: {  	_ =	swait.ge [sflag:s21], $0x4000  }
0x38: {  	[sflag:s21] =	ssyncset.done $0x0  }
0x39: {  	[sflag:s21] =	ssyncadd.s32 $0xFFFFC000  }
0x3a: {  	[tilespmem:s15], [sflag:$0x1] =	stream.indirect.gather [hbm4b:s3+s14], $0x80, s22, s14, $0xb8;
	[tilespmem:$0x10400] =	vst v63  }
0x3b: {  	_ = 	snop  }
0x3c: {  	[tilespmem:s16], [sflag:$0x1] =	stream.indirect.gather [hbm4b:s4+s14], $0x80, s23, s14, $0xb8;
	[tilespmem:$0x10400] =	vst v63  }
0x3d: {  	_ =	swait.ge [sflag:s24], $0x4000  }
0x3e: {  	[sflag:s24] =	ssyncset.done $0x0  }
0x3f: {  	[sflag:s24] =	ssyncadd.s32 $0xFFFFC000  }
0x40: {  	_ =	swait.ge [sflag:s24], $0x4000  }
0x41: {  	[sflag:s24] =	ssyncset.done $0x0  }
0x42: {  	s30 =	simm.s32 $0x0;
	[sflag:s24] =	ssyncadd.s32 $0xFFFFC000  }
0x43: {  	v0 =	vld [tilespmem:s30+$0xC470]  }
0x44: {  	v1 =	vld [tilespmem:s30+$0xC440]  }
0x45: {  	v2 =	vld [tilespmem:s30+$0xC450]  }
0x46: {  	s31 =	simm.s32 $0x200;
	v3 =	vld [tilespmem:s30+$0xC460]  }
.LBB2_4:
0x47: {  	p0 =	sne.s32 s31, $0xFE00  }
.Ltmp1:
0x48: {  	s0 =	sshra.s32 s31, $0x2;
	s31 =	sadd.s32 $0x200, s31;
	[tilespmem:s30+$0x4470] =	vst v0;
	(pc) =	sbr.rel @p0 .LBB2_4-.Ltmp1, $4  }
0x49: {  	v0 =	vld [tilespmem:s0+$0xC470];
	[tilespmem:s30+$0x4440] =	vst v1  }
0x4a: {  	v1 =	vld [tilespmem:s0+$0xC440];
	[tilespmem:s30+$0x4450] =	vst v2  }
0x4b: {  	v2 =	vld [tilespmem:s0+$0xC450];
	[tilespmem:s30+$0x4460] =	vst v3;
	s30 =	smov.u32 s0  }
0x4c: {  	v3 =	vld [tilespmem:s30+$0xC460]  }
0x4d: {  	_ = 	snop  }
0x4e: {  	[tilespmem:s30+$0x4470] =	vst v0  }
0x4f: {  	[tilespmem:s30+$0x4440] =	vst v1  }
0x50: {  	[tilespmem:s30+$0x4450] =	vst v2  }
0x51: {  	s0 =	simm.s32 $0x0;
	[tilespmem:s30+$0x4460] =	vst v3  }
0x52: {  	[hbm4b:s8+s0] =	stream.linear.scatter [tilespmem:s17], [sflag:$0x4], $0x4000, $0x38;
	[tilespmem:$0x10400] =	vst v63  }
0x53: {  	_ =	swait.ge [sflag:s25], $0x4000  }
0x54: {  	[sflag:s25] =	ssyncset.done $0x0  }
0x55: {  	[sflag:s25] =	ssyncadd.s32 $0xFFFFC000  }
0x56: {  	[tilespmem:s17], [sflag:$0x2] =	stream.indirect.gather [hbm4b:s3+s14], $0x80, s26, s14, $0xb8;
	[tilespmem:$0x10400] =	vst v63  }
0x57: {  	_ = 	snop  }
0x58: {  	[tilespmem:s19], [sflag:$0x2] =	stream.indirect.gather [hbm4b:s4+s14], $0x80, s28, s14, $0xb8;
	[tilespmem:$0x10400] =	vst v63  }
0x59: {  	_ =	swait.ge [sflag:s20], $0x4000  }
0x5a: {  	[sflag:s20] =	ssyncset.done $0x0  }
0x5b: {  	[sflag:s20] =	ssyncadd.s32 $0xFFFFC000  }
0x5c: {  	_ =	swait.ge [sflag:s20], $0x4000  }
0x5d: {  	[sflag:s20] =	ssyncset.done $0x0  }
0x5e: {  	s30 =	simm.s32 $0x0;
	[sflag:s20] =	ssyncadd.s32 $0xFFFFC000  }
0x5f: {  	v0 =	vld [tilespmem:s30+$0x8470]  }
0x60: {  	v1 =	vld [tilespmem:s30+$0x8440]  }
0x61: {  	v2 =	vld [tilespmem:s30+$0x8450]  }
0x62: {  	s31 =	simm.s32 $0x200;
	v3 =	vld [tilespmem:s30+$0x8460]  }
.LBB2_6:
0x63: {  	p0 =	sne.s32 s31, $0xFE00  }
.Ltmp2:
0x64: {  	s0 =	sshra.s32 s31, $0x2;
	s31 =	sadd.s32 $0x200, s31;
	[tilespmem:s30+$0x470] =	vst v0;
	(pc) =	sbr.rel @p0 .LBB2_6-.Ltmp2, $4  }
0x65: {  	v0 =	vld [tilespmem:s0+$0x8470];
	[tilespmem:s30+$0x440] =	vst v1  }
0x66: {  	v1 =	vld [tilespmem:s0+$0x8440];
	[tilespmem:s30+$0x450] =	vst v2  }
0x67: {  	v2 =	vld [tilespmem:s0+$0x8450];
	[tilespmem:s30+$0x460] =	vst v3;
	s30 =	smov.u32 s0  }
0x68: {  	v3 =	vld [tilespmem:s30+$0x8460]  }
0x69: {  	_ = 	snop  }
0x6a: {  	[tilespmem:s30+$0x470] =	vst v0  }
0x6b: {  	[tilespmem:s30+$0x440] =	vst v1  }
0x6c: {  	[tilespmem:s30+$0x450] =	vst v2  }
0x6d: {  	s0 =	simm.s32 $0x0;
	[tilespmem:s30+$0x460] =	vst v3  }
0x6e: {  	[hbm4b:s9+s0] =	stream.linear.scatter [tilespmem:s15], [sflag:$0x3], $0x4000, $0x38;
	[tilespmem:$0x10400] =	vst v63  }
0x6f: {  	_ =	swait.ge [sflag:s24], $0x4000  }
0x70: {  	[sflag:s24] =	ssyncset.done $0x0  }
0x71: {  	[sflag:s24] =	ssyncadd.s32 $0xFFFFC000  }
0x72: {  	_ =	swait.ge [sflag:s24], $0x4000  }
0x73: {  	[sflag:s24] =	ssyncset.done $0x0  }
0x74: {  	s30 =	simm.s32 $0x0;
	[sflag:s24] =	ssyncadd.s32 $0xFFFFC000  }
0x75: {  	v0 =	vld [tilespmem:s30+$0xC470]  }
0x76: {  	v1 =	vld [tilespmem:s30+$0xC440]  }
0x77: {  	v2 =	vld [tilespmem:s30+$0xC450]  }
0x78: {  	s31 =	simm.s32 $0x200;
	v3 =	vld [tilespmem:s30+$0xC460]  }
.LBB2_8:
0x79: {  	p0 =	sne.s32 s31, $0xFE00  }
.Ltmp3:
0x7a: {  	s0 =	sshra.s32 s31, $0x2;
	s31 =	sadd.s32 $0x200, s31;
	[tilespmem:s30+$0x4470] =	vst v0;
	(pc) =	sbr.rel @p0 .LBB2_8-.Ltmp3, $4  }
0x7b: {  	v0 =	vld [tilespmem:s0+$0xC470];
	[tilespmem:s30+$0x4440] =	vst v1  }
0x7c: {  	v1 =	vld [tilespmem:s0+$0xC440];
	[tilespmem:s30+$0x4450] =	vst v2  }
0x7d: {  	v2 =	vld [tilespmem:s0+$0xC450];
	[tilespmem:s30+$0x4460] =	vst v3;
	s30 =	smov.u32 s0  }
0x7e: {  	v3 =	vld [tilespmem:s30+$0xC460]  }
0x7f: {  	_ = 	snop  }
0x80: {  	[tilespmem:s30+$0x4470] =	vst v0  }
0x81: {  	[tilespmem:s30+$0x4440] =	vst v1  }
0x82: {  	[tilespmem:s30+$0x4450] =	vst v2  }
0x83: {  	s29 =	sadd.s32 $0x1, s29;
	[tilespmem:s30+$0x4460] =	vst v3  }
0x84: {  	[hbm4b:s10+s1] =	stream.linear.scatter [tilespmem:s17], [sflag:$0x4], $0x4000, $0x38;
	[tilespmem:$0x10400] =	vst v63  }
0x85: {  	p0 =	sne.s32 s29, s11;
	_ =	swait.ge [sflag:s21], $0x4000  }
.Ltmp4:
0x86: {  	[sflag:s21] =	ssyncset.done $0x0;
	(pc) =	sbr.rel @p0 .LBB2_1-.Ltmp4, $4  }
0x87: {  	[sflag:s21] =	ssyncadd.s32 $0xFFFFC000  }
0x88: {  	_ =	swait.ge [sflag:s25], $0x4000  }
0x89: {  	[sflag:s25] =	ssyncset.done $0x0  }
0x8a: {  	[sflag:s25] =	ssyncadd.s32 $0xFFFFC000  }
0x8b: {  	_ =	sfence.sel $0x180000  }
0x8c: {  	[bflag:$0x0] =	sbarrier.arrive $0xFFFF  }
0x8d: {  	_ =	strace $0x90000047  }
0x8e: {  	[bflag:$0x2] =	sbarrier.arrive $0xFFFF  }
0x8f: {  	p0 =	sne.s32 s2, $0x0;
	s0 =	rddreg [dreg:$0x4]  }
0x90: {  	s0 =	sadd.s32 @!p0 $0x100000, s0  }
0x91: {  	[sflag:s0] =	ssyncadd.tile.s32 @!p0 $0x1;
	_ =	shalt  }
.Lfunc_end2:
_tile_overlayer_lowered:
.L_overlay_start_2:
0x92: {  	(tag) =	ssettag $0x2  }
0x93: {  	s0 =	rddreg [dreg:$0x0];
	s2 =	stileid.u32  }
0x94: {  	s1 =	rddreg [dreg:$0x1];
	p0 =	sne.s32 s2, $0x0  }
0x95: {  	s3 =	rddreg [dreg:$0x2];
	[bflag:$0x3] =	sbarrier.arrive $0xFFFF;
	s2 =	simm.s32 @!p0 $0x1C05  }
0x96: {  	[timem:s3], [sflag:s2] =	dma.local @!p0 [hbm:s0], s1  }
0x97: {  	s0 =	simm.s32 @!p0 $0x5  }
0x98: {  	_ =	swait.ge @!p0 [sflag:s0], s1  }
0x99: {  	s1 =	ssub.s32 @!p0 $0x0, s1;
	[sflag:s0] =	ssyncset.done @!p0 $0x0  }
0x9a: {  	[sflag:s0] =	ssyncadd.s32 @!p0 s1  }
0x9b: {  	[bflag:$0x3] =	sbarrier.arrive $0xFFFF  }
0x9c: {  	_ =	shalt  }

</sc_bundles>
